<compile_context>
chip_gen: v7x
topology: tpu7x:2x2x1
jax: 0.10.2.dev20260603
libtpu: 0.0.44.dev20260713+nightly
codegen_flags: <defaults>
</compile_context>

<pallas_src>
import jax
import jax.numpy as jnp
from jax.experimental import pallas as pl

W = 256
H = 16
M = 144
MM = M * M
ROWS = 529
GCHUNK = 2304
NB = 4


def _gather_body(idx_ref, table_ref, out_ref):
    idx = idx_ref[0]
    iota = jax.lax.broadcasted_iota(jnp.int32, (1, ROWS), 1)
    onehot = (idx == iota).astype(jnp.float32)
    out_ref[0] = jnp.dot(onehot, table_ref[...],
                         preferred_element_type=jnp.float32)


def _add_body(att_ref, bias_ref, out_ref):
    out_ref[...] = att_ref[...] + jnp.tile(bias_ref[...], (NB, 1))


def kernel(att_scores, bias_table, relative_position_index):
    idx = relative_position_index.reshape(MM // GCHUNK, GCHUNK, 1)
    gathered = pl.pallas_call(
        _gather_body,
        grid=(MM // GCHUNK,),
        in_specs=[
            pl.BlockSpec((1, GCHUNK, 1), lambda c: (c, 0, 0)),
            pl.BlockSpec((ROWS, H), lambda c: (0, 0)),
        ],
        out_specs=pl.BlockSpec((1, GCHUNK, H), lambda c: (c, 0, 0)),
        out_shape=jax.ShapeDtypeStruct((MM // GCHUNK, GCHUNK, H), jnp.float32),
    )(idx, bias_table)

    bias = gathered.reshape(MM, H).T

    att2 = att_scores.reshape(W * H, MM)
    out2 = pl.pallas_call(
        _add_body,
        grid=(W // NB,),
        in_specs=[
            pl.BlockSpec((NB * H, MM), lambda w: (w, 0)),
            pl.BlockSpec((H, MM), lambda w: (0, 0)),
        ],
        out_specs=pl.BlockSpec((NB * H, MM), lambda w: (w, 0)),
        out_shape=jax.ShapeDtypeStruct((W * H, MM), jnp.float32),
    )(att2, bias)
    return out2.reshape(W, H, M, M)

# --- scband reference (transcript-rebuilt; emitter-appended) ---
"""Pipeline reference for scband-relative-embedding-88141318849042 (READ-ONLY COPY).

The authoritative reference and input builder live on the scoring server;
editing this copy changes nothing except your own understanding.
"""

import jax, jax.numpy as jnp
import numpy as np

WINDOW_SIZE = 12
NUM_HEADS = 16
NUM_WINDOWS = 256


def _relative_position_index(ws):
    coords = np.arange(ws)
    rc = np.stack(np.meshgrid(coords, coords, indexing='ij'))  # [2, ws, ws]
    rc = rc.reshape(2, -1)  # [2, M]
    rel = rc[:, :, None] - rc[:, None, :]  # [2, M, M]
    rel = rel.transpose(1, 2, 0).copy()  # [M, M, 2]
    rel[:, :, 0] += ws - 1
    rel[:, :, 1] += ws - 1
    rel[:, :, 0] *= 2 * ws - 1
    return rel.sum(-1)  # [M, M]


def setup_inputs(seed: int = 0) -> dict:
    key = jax.random.key(seed)
    k1, k2 = jax.random.split(key)
    M = WINDOW_SIZE * WINDOW_SIZE
    att_scores = jax.random.normal(k1, (NUM_WINDOWS, NUM_HEADS, M, M), dtype=jnp.float32)
    table_rows = (2 * WINDOW_SIZE - 1) * (2 * WINDOW_SIZE - 1)
    bias_table = jax.random.truncated_normal(k2, -2.0, 2.0, (table_rows, NUM_HEADS), dtype=jnp.float32) * 0.02
    rpi = jnp.asarray(_relative_position_index(WINDOW_SIZE), dtype=jnp.int32)
    return {"att_scores": att_scores, "bias_table": bias_table, "relative_position_index": rpi}


def reference(att_scores, bias_table, relative_position_index):
    M = WINDOW_SIZE * WINDOW_SIZE
    # gather: bias_table[relative_position_index.view(-1)]
    bias = jnp.take(bias_table, relative_position_index.reshape(-1), axis=0)  # [M*M, H]
    bias = bias.reshape(M, M, NUM_HEADS).transpose(2, 0, 1)  # [H, M, M]
    return att_scores + bias[None, :, :, :]

if __name__ == "__main__":
    import jax
    _d = setup_inputs()
    print(jax.jit(kernel)(*tuple(_d.values())))

</pallas_src>

<mosaic_0001>
module attributes {stable_mosaic.version = 14 : i64} {
  func.func @_gather_body(%arg0: i32, %arg1: memref<1x2304x1xi32, #tpu.memory_space<vmem>>, %arg2: memref<529x16xf32, #tpu.memory_space<vmem>>, %arg3: memref<1x2304x16xf32, #tpu.memory_space<vmem>>) attributes {dimension_semantics = [#tpu.dimension_semantics<arbitrary>], iteration_bounds = array<i64: 9>, scalar_prefetch = 0 : i64, scratch_operands = 0 : i64, tpu.core_type = #tpu.core_type<tc>, window_params = [{transform_indices = @transform_0, window_bounds = array<i64: 1, 2304, 1>}, {pipeline_mode = #tpu.pipeline_mode<synchronous>, transform_indices = @transform_1, window_bounds = array<i64: 529, 16>}, {transform_indices = @transform_2, window_bounds = array<i64: 1, 2304, 16>}]} {
    %get3A = arith.constant 0 : index
    %get3A_0 = arith.constant 0 : index
    %get3A_1 = arith.constant 0 : index
    %get3A_2 = vector.load %arg1[%get3A, %get3A_0, %get3A_1] : memref<1x2304x1xi32, #tpu.memory_space<vmem>>, vector<1x2304x1xi32>
    %get3A_3 = vector.shape_cast %get3A_2 : vector<1x2304x1xi32> to vector<2304x1xi32>
    %iota3A = tpu.iota {dimensions = array<i32: 1>} : vector<1x529xi32>
    %eq3A = vector.broadcast %get3A_3 : vector<2304x1xi32> to vector<2304x529xi32>
    %eq3A_4 = vector.broadcast %iota3A : vector<1x529xi32> to vector<2304x529xi32>
    %eq3A_5 = arith.cmpi eq, %eq3A, %eq3A_4 : vector<2304x529xi32>
    %convert_element_type3A = arith.extui %eq3A_5 : vector<2304x529xi1> to vector<2304x529xi32>
    %convert_element_type3A_6 = arith.sitofp %convert_element_type3A : vector<2304x529xi32> to vector<2304x529xf32>
    %get3A_7 = arith.constant 0 : index
    %get3A_8 = arith.constant 0 : index
    %get3A_9 = vector.load %arg2[%get3A_7, %get3A_8] : memref<529x16xf32, #tpu.memory_space<vmem>>, vector<529x16xf32>
    %dot_general3A = arith.constant dense<0.000000e+00> : vector<2304x16xf32>
    %dot_general3A_10 = tpu.matmul %convert_element_type3A_6, %get3A_9, %dot_general3A {dimension_numbers = #tpu.dot_dimension_numbers<[1], [0], [0], [1], [0, 0, 1, 1], [], []>, transpose_lhs_hint = false} : vector<2304x529xf32>, vector<529x16xf32>, vector<2304x16xf32> -> vector<2304x16xf32>
    %swap3A = arith.constant 0 : index
    %swap3A_11 = arith.constant 0 : index
    %swap3A_12 = arith.constant 0 : index
    %swap3A_13 = vector.load %arg3[%swap3A, %swap3A_11, %swap3A_12] : memref<1x2304x16xf32, #tpu.memory_space<vmem>>, vector<1x2304x16xf32>
    %swap3A_14 = vector.shape_cast %swap3A_13 : vector<1x2304x16xf32> to vector<2304x16xf32>
    %swap3A_15 = vector.shape_cast %dot_general3A_10 : vector<2304x16xf32> to vector<1x2304x16xf32>
    tpu.vector_store %arg3[%swap3A, %swap3A_11, %swap3A_12], %swap3A_15 {strides = array<i32>} : memref<1x2304x16xf32, #tpu.memory_space<vmem>>, vector<1x2304x16xf32>,
    return
  }
  func.func @transform_0(%arg0: i32) -> (i32, i32, i32) {
    %c0_i32 = arith.constant 0 : i32
    %c0_i32_0 = arith.constant 0 : i32
    %c0_i32_1 = arith.constant 0 : i32
    return %arg0, %c0_i32, %c0_i32_0 : i32, i32, i32
  }
  func.func @transform_1(%arg0: i32) -> (i32, i32) {
    %c0_i32 = arith.constant 0 : i32
    %c0_i32_0 = arith.constant 0 : i32
    %c0_i32_1 = arith.constant 0 : i32
    return %c0_i32, %c0_i32_0 : i32, i32
  }
  func.func @transform_2(%arg0: i32) -> (i32, i32, i32) {
    %c0_i32 = arith.constant 0 : i32
    %c0_i32_0 = arith.constant 0 : i32
    %c0_i32_1 = arith.constant 0 : i32
    return %arg0, %c0_i32, %c0_i32_0 : i32, i32, i32
  }
}

module attributes {stable_mosaic.version = 14 : i64} {
  func.func @_add_body(%arg0: i32, %arg1: memref<64x20736xf32, #tpu.memory_space<vmem>>, %arg2: memref<16x20736xf32, #tpu.memory_space<vmem>>, %arg3: memref<64x20736xf32, #tpu.memory_space<vmem>>) attributes {dimension_semantics = [#tpu.dimension_semantics<arbitrary>], iteration_bounds = array<i64: 64>, scalar_prefetch = 0 : i64, scratch_operands = 0 : i64, tpu.core_type = #tpu.core_type<tc>, window_params = [{transform_indices = @transform_0, window_bounds = array<i64: 64, 20736>}, {pipeline_mode = #tpu.pipeline_mode<synchronous>, transform_indices = @transform_1, window_bounds = array<i64: 16, 20736>}, {transform_indices = @transform_2, window_bounds = array<i64: 64, 20736>}]} {
    %get3A = arith.constant 0 : index
    %get3A_0 = arith.constant 0 : index
    %get3A_1 = vector.load %arg1[%get3A, %get3A_0] : memref<64x20736xf32, #tpu.memory_space<vmem>>, vector<64x20736xf32>
    %get3A_2 = arith.constant 0 : index
    %get3A_3 = arith.constant 0 : index
    %get3A_4 = vector.load %arg2[%get3A_2, %get3A_3] : memref<16x20736xf32, #tpu.memory_space<vmem>>, vector<16x20736xf32>
    %tile3A = tpu.concatenate %get3A_4, %get3A_4, %get3A_4, %get3A_4 in 0 : vector<16x20736xf32>, vector<16x20736xf32>, vector<16x20736xf32>, vector<16x20736xf32> -> vector<64x20736xf32>
    %add3A = arith.addf %get3A_1, %tile3A : vector<64x20736xf32>
    %swap3A = arith.constant 0 : index
    %swap3A_5 = arith.constant 0 : index
    %swap3A_6 = vector.load %arg3[%swap3A, %swap3A_5] : memref<64x20736xf32, #tpu.memory_space<vmem>>, vector<64x20736xf32>
    tpu.vector_store %arg3[%swap3A, %swap3A_5], %add3A {strides = array<i32>} : memref<64x20736xf32, #tpu.memory_space<vmem>>, vector<64x20736xf32>,
    return
  }
  func.func @transform_0(%arg0: i32) -> (i32, i32) {
    %c0_i32 = arith.constant 0 : i32
    %c0_i32_0 = arith.constant 0 : i32
    return %arg0, %c0_i32 : i32, i32
  }
  func.func @transform_1(%arg0: i32) -> (i32, i32) {
    %c0_i32 = arith.constant 0 : i32
    %c0_i32_0 = arith.constant 0 : i32
    %c0_i32_1 = arith.constant 0 : i32
    return %c0_i32, %c0_i32_0 : i32, i32
  }
  func.func @transform_2(%arg0: i32) -> (i32, i32) {
    %c0_i32 = arith.constant 0 : i32
    %c0_i32_0 = arith.constant 0 : i32
    return %arg0, %c0_i32 : i32, i32
  }
}

</mosaic_0001>

<sc_bundles>
// kernel: sparse-core-data-format-call.cloned.1.call-start
scs
called_computation_lowered:
.L_overlay_start_0:
0x0: {  	s2 =	sld [smem:$0x3FD9]  }
0x1: {  	s3 =	sld [smem:$0x3FFE];
	_ =	sdelay $0x1  }
0x2: {  	s1 =	srdreg.scid  }
0x3: {  	s0 =	sand.u32 $0x1, s1  }
0x4: {  	s18 =	sshll.u32 s0, $0xA;
	s2 =	sadd.s32 s3, s2  }
0x5: {  	s2 =	sadd.s32 s2, s18  }
0x6: {  	[smem:$0x3FC5] =	sst s2  }
0x7: {  	_ = 	snop  }
0x8: {  	s2 =	sld [smem:$0x3FD0];
	(tm) =	ssettm $0x1  }
0x9: {  	s19 =	sld [smem:$0x3FFB];
	_ =	sdelay $0x3  }
0xa: {  	_ =	strace s19  }
0xb: {  	s3 =	sld [smem:$0x3FFC];
	_ =	sdelay $0x3  }
0xc: {  	_ =	strace s3  }
0xd: {  	s3 =	sld [smem:$0x3FFD];
	_ =	sdelay $0x3  }
0xe: {  	_ =	strace s3  }
0xf: {  	_ =	strace $0x8FFFFFFF  }
0x10: {  	s20 =	sld [smem:$0x3FDB];
	_ =	sdelay $0x1  }
0x11: {  	s4 =	simm.s32 $_scs_section_size  }
0x12: {  	s5 =	simm.s32 $_size__tile_overlayer_lowered;
	s6 =	simm.s32 $_tile_overlayer_lowered  }
0x13: {  	s23 =	simm.s32 $0x1BFF;
	s22 =	sshll.u32 s6, $0x1;
	s3 =	sadd.s32 s4, s20  }
0x14: {  	s7 =	simm.s32 $0x0;
	s21 =	sshll.u32 s5, $0x1;
	s5 =	sadd.s32 s22, s3  }
0x15: {  	[timem:s7], [sflag:s23] =	dma.local [hbm:s5], s21  }
0x16: {  	_ =	swait.ge [sflag:s23], s21  }
0x17: {  	s4 =	ssub.s32 $0x0, s21;
	[sflag:s23] =	ssyncset.done $0x0  }
0x18: {  	[sflag:s23] =	ssyncadd.s32 s4;
	_ =	sdelay $0x1  }
0x19: {  	s24 =	simm.s32 $0x1B8B  }
0x1a: {  	_ =	swait.ge [sflag:s24], $0x1  }
0x1b: {  	[sflag:s24] =	ssyncset.done $0x0  }
0x1c: {  	s26 =	simm.s32 $0x1B8E;
	s25 =	sld [smem:$0x3FFE];
	[sflag:s24] =	ssyncadd.s32 $0xFFFFFFFF  }
0x1d: {  	s27 =	simm.s32 $execute0_lowered;
	[smem:$0x3FD2] =	sst s26  }
0x1e: {  	s5 =	sshll.u32 s27, $0x1;
	_ =	strace $0x80000046;
	[dreg:$0x1] =	wrdreg $0xFFFFFFFF  }
0x1f: {  	s28 =	simm.s32 $_size_execute0_lowered;
	s3 =	sadd.s32 s3, s5;
	[dreg:$0x0] =	wrdreg $0x0  }
0x20: {  	s5 =	sshll.u32 s28, $0x1;
	[dreg:$0x2] =	wrdreg s3  }
0x21: {  	[dreg:$0x3] =	wrdreg s5  }
0x22: {  	[dreg:$0x4] =	wrdreg $0xC0  }
0x23: {  	_ =	task [dreg:s7], $0x5FFFF  }
0x24: {  	[dreg:$0x1] =	wrdreg $0xFFFFFFFF  }
0x25: {  	[dreg:$0x0] =	wrdreg $0x60  }
0x26: {  	[dreg:$0x2] =	wrdreg s25  }
0x27: {  	[dreg:$0x3] =	wrdreg s2  }
0x28: {  	[dreg:$0x4] =	wrdreg $0x9  }
0x29: {  	_ =	task.clear_ibuf [dreg:s7], $0x5FFFF;
	_ =	strace $0x90000046  }
0x2a: {  	s29 =	simm.s32 $0x9;
	_ =	strace $0x80000048  }
0x2b: {  	_ =	swait.ge [sflag:s29], $0x1  }
0x2c: {  	[sflag:s29] =	ssyncadd.s32 $0xFFFFFFFF  }
0x2d: {  	_ =	strace $0x90000048  }
0x2e: {  	_ =	sfence  }
0x2f: {  	s30 =	sld [smem:$0x0];
	_ =	sdelay $0x2  }
0x30: {  	s31 =	sshll.u32 s1, $0xD;
	s1 =	sshrl.u32 s1, $0x2  }
0x31: {  	s3 =	sand.u32 $0x4000, s31;
	s1 =	sadd.s32 s1, s30  }
0x32: {  	s0 =	sor.u32 s3, s0;
	s1 =	sshll.u32 s1, $0x11  }
0x33: {  	s0 =	sor.u32 s1, s0  }
0x34: {  	s0 =	sadd.s32 $0x8F2B, s0  }
0x35: {  	[sflag:s0] =	ssyncadd.remote.s32 $0x1  }
0x36: {  	_ =	sfence.sel $0xFFFF  }
0x37: {  	[dreg:$0x0] =	wrdreg $0xFFFFFFFF;
	(pc) =	sbr.abs _section_cstart, $3  }
0x38: {  	[dreg:$0x1] =	wrdreg $0xFFFFFFFF  }
0x39: {  	_ =	task.clear_ibuf [dreg:s7], $0x2FFFF;
	_ =	strace $0x9FFFFFFF  }
0x3a: {  	(tm) =	ssettm $0x7FFFFFFF  }
0x3b: {  	_ =	shalt  }
tec
execute0_lowered:
.L_overlay_start_1:
0x0: {  	(tag) =	ssettag $0x1  }
0x1: {  	s4 =	rddreg [dreg:$0x0]  }
0x2: {  	s0 =	stileid.u32;
	s2 =	rddreg [dreg:$0x1]  }
0x3: {  	s7 =	srdreg.scid;
	s8 =	simm.s32 $0x2;
	s18 =	simm.s32 $0x0  }
0x4: {  	p0 =	por $0x0, $0x0;
	s9 =	simm.s32 $0x510000;
	s16 =	simm.s32 $0x0  }
0x5: {  	s17 =	simm.s32 $0x0;
	s15 =	simm.s32 $0x0;
	s1 =	sshll.u32 s0, $0x7  }
0x6: {  	s10 =	simm.s32 $0x0;
	s12 =	simm.s32 $0x0;
	s3 =	sand.u32 $0x80, s1  }
0x7: {  	s14 =	simm.s32 $0x0;
	s4 =	sadd.s32 $0xA20800, s4;
	s5 =	ssub.s32 $0x100, s3  }
0x8: {  	s7 =	sshll.u32 s7, $0x4;
	s1 =	rddreg [dreg:$0x2];
	s6 =	sshrl.u32 s5, $0x7  }
.Ltmp0:
0x9: {  	s5 =	sshrl.u32 s5, $0x8;
	s6 =	sand.u32 $0x1, s6;
	(pc) =	sbr.rel .LBB1_1-.Ltmp0, $4  }
0xa: {  	_ =	strace $0x80000047;
	s7 =	sand.u32 $0x10, s7;
	s6 =	sadd.s32 s5, s6  }
0xb: {  	s7 =	sor.u32 s0, s7;
	s5 =	simm.s32 $0x1;
	s6 =	smul.u32 $0xA2, s6  }
0xc: {  	s13 =	smov.u32 s3;
	s7 =	sshrl.u32 s7, $0x1;
	[sflag:s5] =	ssyncpa.u1 $0x0  }
0xd: {  	s11 =	smov.u32 s7;
	[sflag:s8] =	ssyncpa.u1 $0x0;
	s8 =	sor.u32 $0x1, s6  }
.LBB1_7:
0xe: {  	s19 =	sadd.s32 $0x8, s10  }
0xf: {  	s15 =	sadd.s32 $0x10, s11;
	s20 =	smov.u32 s11;
	p2 =	sgt.s32 s19, $0x8F  }
0x10: {  	s20 =	smov.u32 @p2 s15  }
0x11: {  	s21 =	smov.u32 s12;
	s15 =	sadd.s32 $0x10, s12;
	p3 =	sgt.s32 s20, $0x8F  }
0x12: {  	s21 =	smov.u32 @p3 s15  }
0x13: {  	s22 =	smov.u32 s13;
	s15 =	sadd.s32 $0x100, s13;
	p4 =	sgt.s32 s21, $0xF  }
0x14: {  	p1 =	slt.u32 s14, $0x2;
	s22 =	smov.u32 @p4 s15  }
0x15: {  	s18 =	smov.u32 s10;
	s19 =	simm.s32 @p2 $0x0;
	p2 =	sgt.s32 s22, $0xFF  }
0x16: {  	s23 =	simm.s32 @!p1 $0x2;
	s22 =	smov.u32 @p2 s3;
	p2 =	sne.s32 s14, s8  }
.Ltmp1:
0x17: {  	s16 =	smov.u32 s11;
	_ =	swait.ge @!p1 [sflag:s23], $0x4000;
	(pc) =	sbr.rel @!p2 .LBB1_8-.Ltmp1, $4  }
0x18: {  	s17 =	smov.u32 s12;
	p0 =	por !p0, !p0;
	[sflag:s23] =	ssyncset.done @!p1 $0x0  }
0x19: {  	s10 =	smov.u32 s19;
	s20 =	smov.u32 @p3 s7;
	[sflag:s23] =	ssyncadd.s32 @!p1 $0xFFFFC000  }
0x1a: {  	s11 =	smov.u32 s20;
	s21 =	simm.s32 @p4 $0x0;
	s15 =	smov.u32 s13  }
0x1b: {  	s12 =	smov.u32 s21;
	s14 =	sadd.s32 $0x1, s14;
	s13 =	smov.u32 s22  }
.LBB1_1:
0x1c: {  	p1 =	sge.u32 s14, s6  }
0x1d: {  	s19 =	sshll.u32 @!p1 s11, $0x8;
	s20 =	sshll.u32 @!p1 s10, $0x3  }
0x1e: {  	s21 =	sshll.u32 @!p1 s11, $0x7;
	s19 =	sand.u32 @!p1 $0xFFFFF800, s19;
	s20 =	sand.u32 @!p1 $0xFFFFFC00, s20  }
0x1f: {  	s19 =	sadd.s32 @!p1 s19, s20;
	s20 =	sand.u32 @!p1 $0x300, s21  }
0x20: {  	s19 =	sor.u32 @!p1 s20, s19  }
0x21: {  	s19 =	sshrl.u32 @!p1 s19, $0x8  }
0x22: {  	s20 =	smulhi.u32 @!p1 $0x1C71C72, s19  }
0x23: {  	s31 =	sadd.s32 $0xFFFFFFFF, s14;
	s22 =	sxor.u32 @!p1 $0xFFFFFFFF, s14;
	s24 =	smul.u32 @!p1 $0x12000, s13  }
0x24: {  	s23 =	sand.u32 @!p1 $0x78, s10;
	s21 =	sand.u32 @!p1 $0x80, s21;
	s20 =	smul.u32 @!p1 $0x90, s20  }
0x25: {  	s22 =	sshll.u32 @!p1 s22, $0xE;
	s21 =	sor.u32 @!p1 s23, s21;
	s23 =	smul.u32 @!p1 $0x1200, s12  }
0x26: {  	s19 =	ssub.s32 @!p1 s19, s20;
	s20 =	sand.u32 @!p1 $0x4000, s22;
	s22 =	sadd.s32 @!p1 s4, s24  }
0x27: {  	s21 =	sshrl.u32 @!p1 s21, $0x3;
	s22 =	sadd.s32 @!p1 s23, s22;
	s23 =	sand.u32 @!p1 $0x7, s10  }
0x28: {  	s19 =	sshll.u32 @!p1 s19, $0x5;
	s21 =	sadd.s32 @!p1 s21, s22;
	s22 =	sshll.u32 @!p1 s23, $0x12  }
0x29: {  	s19 =	sadd.s32 @!p1 s19, s21;
	s21 =	sor.u32 @!p1 $0x8, s22;
	s22 =	simm.s32 @!p1 $0x9000  }
0x2a: {  	[tilespmem:s20], [sflag:$0x1] =	stream.strided.gather @!p1 [hbm4b:s19+s21], $0x4000, s22, s21, $0x38;
	[tilespmem:$0x10100] =	vst v63  }
0x2b: {  	p1 =	sge.u32 s31, s6  }
.Ltmp2:
0x2c: {  	_ = 	snop;
	(pc) =	sbr.rel @p1 .LBB1_7-.Ltmp2, $1  }
0x2d: {  	_ =	sdelay $0x3  }
0x2e: {  	s19 =	simm.s32 $0x1;
	s21 =	sand.u32 $0x1, s14  }
0x2f: {  	s19 =	simm.s32 @!p0 $0x0;
	s22 =	smul.u32 $0x10200, s21  }
0x30: {  	_ =	swait.ge [sflag:s5], $0x4000;
	s20 =	smul.u32 $0x10200, s19  }
0x31: {  	[sflag:s5] =	ssyncset.done $0x0;
	s21 =	sshll.u32 s19, $0xE  }
0x32: {  	[sflag:s5] =	ssyncadd.s32 $0xFFFFC000;
	s31 =	sshrl.u32 s22, $0x2;
	s20 =	sshrl.u32 s20, $0x2  }
0x33: {  	s22 =	simm.s32 $0x0;
	s19 =	sor.u32 $0x8000, s31;
	s20 =	sor.u32 $0x8000, s20  }
.LBB1_3:
0x34: {  	v0 =	vmov s21;
	_ =	sdelay $0x3  }
0x35: {  	s23 =	simm.s32 $0x0  }
0x36: {  	v1 =	vld.idx.msk [tilespmem:v0+s23+$0x0 ss:$0x1], $0xff;
	_ =	sdelay $0x2  }
0x37: {  	s24 =	simm.s32 $0x20;
	s23 =	smov.u32 s20  }
.LBB1_4:
0x38: {  	s25 =	sshra.s32 s24, $0x2;
	p1 =	sne.s32 s24, $0x1E0;
	s24 =	sadd.s32 $0x20, s24  }
.Ltmp3:
0x39: {  	[tilespmem:s23+$0x0 ss:$0x81] =	vst.msk $0xff, v1;
	v1 =	vld.idx.msk [tilespmem:v0+s25+$0x0 ss:$0x1], $0xff;
	(pc) =	sbr.rel @p1 .LBB1_4-.Ltmp3, $2  }
0x3a: {  	_ =	sdelay $0x2  }
0x3b: {  	s23 =	sadd.s32 $0x408, s23  }
0x3c: {  	s22 =	sadd.s32 $0x1, s22  }
0x3d: {  	p1 =	sne.s32 s22, $0x80  }
.Ltmp4:
0x3e: {  	_ = 	snop;
	(pc) =	sbr.rel @p1 .LBB1_3-.Ltmp4, $2  }
0x3f: {  	_ =	sdelay $0x2  }
0x40: {  	[tilespmem:s23+$0x0 ss:$0x81] =	vst.msk $0xff, v1;
	s20 =	sadd.s32 $0x1, s20;
	s21 =	sadd.s32 $0x80, s21  }
0x41: {  	s20 =	sshll.u32 s18, $0x8;
	s21 =	sshll.u32 s15, $0x3  }
0x42: {  	s27 =	sshll.u32 s18, $0x7;
	s20 =	sand.u32 $0xFFFFF800, s20;
	s21 =	sand.u32 $0xFFFFFC00, s21  }
0x43: {  	s28 =	sand.u32 $0x300, s27;
	s20 =	sadd.s32 s21, s20  }
0x44: {  	s20 =	sor.u32 s28, s20  }
0x45: {  	s17 =	smul.u32 $0xA2000, s17;
	s20 =	sshrl.u32 s20, $0x8  }
0x46: {  	s29 =	smulhi.u32 $0x1C71C72, s20  }
0x47: {  	s22 =	sand.u32 $0x78, s15;
	s16 =	smul.u32 $0x1200, s16  }
0x48: {  	s30 =	sand.u32 $0x7, s15;
	s18 =	sand.u32 $0x80, s27;
	s21 =	smul.u32 $0x90, s29  }
.Ltmp5:
0x49: {  	s18 =	sor.u32 s22, s18;
	s17 =	sadd.s32 s2, s17;
	(pc) =	sbr.rel .LBB1_7-.Ltmp5, $4  }
0x4a: {  	s18 =	sshrl.u32 s18, $0x3;
	s16 =	sadd.s32 s16, s17;
	s20 =	ssub.s32 s20, s21  }
0x4b: {  	s15 =	sshll.u32 s30, $0x12;
	s16 =	sadd.s32 s18, s16;
	s31 =	sshll.u32 s20, $0x5  }
0x4c: {  	s15 =	sor.u32 $0x400, s15;
	s16 =	sadd.s32 s31, s16  }
0x4d: {  	[hbm4b:s16+s15] =	stream.strided.scatter [tilespmem:s19], [sflag:$0x2], $0x4000, s9, s15, $0x20;
	[tilespmem:$0x10100] =	vst v63  }
.LBB1_8:
0x4e: {  	_ =	sfence.sel $0x180000  }
0x4f: {  	s2 =	simm.s32 $0x1;
	[bflag:$0x0] =	sbarrier.arrive $0xFFFF  }
0x50: {  	s31 =	simm.s32 $0x2;
	[sflag:s2] =	ssyncpa.u1 $0x1  }
0x51: {  	[sflag:s31] =	ssyncpa.u1 $0x1  }
0x52: {  	p0 =	sne.s32 s0, $0x0;
	_ =	strace $0x90000047  }
0x53: {  	s0 =	sadd.s32 @!p0 $0x100000, s1;
	[bflag:$0x2] =	sbarrier.arrive $0xFFFF  }
0x54: {  	[sflag:s0] =	ssyncadd.tile.s32 @!p0 $0x1;
	_ =	shalt  }
.Lfunc_end1:
_tile_overlayer_lowered:
.L_overlay_start_2:
0x55: {  	(tag) =	ssettag $0x2  }
0x56: {  	s0 =	rddreg [dreg:$0x0];
	s2 =	stileid.u32  }
0x57: {  	s1 =	rddreg [dreg:$0x1];
	p0 =	sne.s32 s2, $0x0  }
0x58: {  	s3 =	rddreg [dreg:$0x2];
	[bflag:$0x3] =	sbarrier.arrive $0xFFFF;
	s2 =	simm.s32 @!p0 $0x1C01  }
0x59: {  	[timem:s3], [sflag:s2] =	dma.local @!p0 [hbm:s0], s1  }
0x5a: {  	s0 =	simm.s32 @!p0 $0x1  }
0x5b: {  	_ =	swait.ge @!p0 [sflag:s0], s1  }
0x5c: {  	s1 =	ssub.s32 @!p0 $0x0, s1;
	[sflag:s0] =	ssyncset.done @!p0 $0x0  }
0x5d: {  	[sflag:s0] =	ssyncadd.s32 @!p0 s1  }
0x5e: {  	[bflag:$0x3] =	sbarrier.arrive $0xFFFF  }
0x5f: {  	_ =	shalt  }

</sc_bundles>
